<compile_context>
chip_gen: v7x
topology: tpu7x:2x2x1
jax: 0.10.2.dev20260603
libtpu: 0.0.44.dev20260713+nightly
codegen_flags: <defaults>
</compile_context>

<pallas_src>
import functools

import jax
import jax.numpy as jnp
from jax import lax
from jax.experimental import pallas as pl
from jax.experimental.pallas import tpu as pltpu
from jax.experimental.pallas import tpu_sc as plsc

_BETA = 0.25
_T = 2048
_KT = 1024


def _combine(lhs, rhs, rounded):
    lv, li = lhs
    rv, ri = rhs
    if rounded:
        u = lax.bitcast_convert_type(lv, jnp.uint32)
        u = (u + jnp.uint32(0x7FFF) + ((u >> 16) & jnp.uint32(1))) \
            & jnp.uint32(0xFFFF0000)
        cmp_l = lax.bitcast_convert_type(u, jnp.float32)
    else:
        cmp_l = lv
    keep = cmp_l <= rv
    return jnp.where(keep, lv, rv), jnp.where(keep, li, ri)


def _argmin_body(n_e, x_ref, sqx_ref, e_ref, sqe_ref, idx_ref, dsum_ref):
    x = x_ref[...]
    xb = x.astype(jnp.bfloat16)
    sqx = sqx_ref[...]
    champs = []
    for c in range(n_e // _KT):
        e_c = e_ref[c * _KT:(c + 1) * _KT, :].astype(jnp.bfloat16)
        sqe_c = sqe_ref[:, c * _KT:(c + 1) * _KT]
        s2 = lax.dot_general(xb, e_c, (((1,), (1,)), ((), ())),
                             preferred_element_type=jnp.float32)
        d = (sqx + sqe_c) + s2
        cm = jnp.min(d, axis=1, keepdims=True)
        io = lax.broadcasted_iota(jnp.int32, (_T, _KT), 1)
        ci = jnp.min(jnp.where(d == cm, io, jnp.int32(2**31 - 1)),
                     axis=1, keepdims=True) + c * _KT
        champs.append((cm, ci))
    a = _combine(champs[0], champs[1], False)
    c = _combine(champs[2], champs[3], False)
    dd = _combine(champs[4], champs[5], False)
    b = _combine(champs[6], champs[7], False)
    a2 = _combine(a, c, False)
    b2 = _combine(dd, b, False)
    m, bi = _combine(a2, b2, True)
    idx_ref[...] = bi

    @pl.when(pl.program_id(0) == 0)
    def _():
        dsum_ref[...] = jnp.zeros_like(dsum_ref)

    dsum_ref[...] += jnp.sum(m, axis=0, keepdims=True)


def _distance_argmin(latent, sqx, emb, sqe):
    n, e_dim = latent.shape
    n_e = emb.shape[0]
    grid = n // _T
    idx, dsum = pl.pallas_call(
        functools.partial(_argmin_body, n_e),
        grid=(grid,),
        in_specs=[
            pl.BlockSpec((_T, e_dim), lambda i: (i, 0)),
            pl.BlockSpec((_T, 1), lambda i: (i, 0)),
            pl.BlockSpec((n_e, e_dim), lambda i: (0, 0)),
            pl.BlockSpec((1, n_e), lambda i: (0, 0)),
        ],
        out_specs=[
            pl.BlockSpec((_T, 1), lambda i: (i, 0)),
            pl.BlockSpec((1, 1), lambda i: (0, 0)),
        ],
        out_shape=[
            jax.ShapeDtypeStruct((n, 1), jnp.int32),
            jax.ShapeDtypeStruct((1, 1), jnp.float32),
        ],
    )(latent, sqx, emb, sqe)
    return idx.reshape(n), dsum[0, 0]


def _sc_gather(table, idx):
    b = idx.shape[0]
    d_orig = table.shape[1]
    table = jnp.pad(table, ((0, 0), (0, 128 - d_orig)))
    d = 128
    info = plsc.get_sparse_core_info()
    nw = info.num_cores * info.num_subcores
    b_per_w = b // nw
    kch = b_per_w // 128
    idx3 = idx.reshape(nw, kch, 128)
    mesh = plsc.VectorSubcoreMesh(core_axis_name="c", subcore_axis_name="s")

    @functools.partial(
        pl.kernel,
        mesh=mesh,
        out_type=jax.ShapeDtypeStruct((b, d), jnp.float32),
        scratch_types=[
            pltpu.VMEM((kch, 128), jnp.int32),
            pltpu.VMEM((b_per_w, d), jnp.float32),
            pltpu.SemaphoreType.DMA,
        ],
    )
    def k(table_hbm, idx_hbm, out_hbm, idx_v, rows_v, sem):
        wid = lax.axis_index("s") * info.num_cores + lax.axis_index("c")
        base = wid * b_per_w
        pltpu.sync_copy(idx_hbm.at[wid], idx_v)
        copies = [
            pltpu.async_copy(table_hbm.at[idx_v.at[j]],
                             rows_v.at[pl.ds(j * 128, 128)], sem)
            for j in range(kch)
        ]
        for c in copies:
            c.wait()
        pltpu.sync_copy(rows_v, out_hbm.at[pl.ds(base, b_per_w)])

    return k(table, idx3)[:, :d_orig]


def kernel(x, embedding_weight):
    e_dim = x.shape[-1]
    latent = x.reshape(-1, e_dim)
    sqx = jnp.sum(latent ** 2, axis=1, keepdims=True)
    sqe = jnp.sum(embedding_weight ** 2, axis=1, keepdims=True).T
    idx, dsum = _distance_argmin(latent, sqx, -2.0 * embedding_weight, sqe)
    x_q = _sc_gather(embedding_weight, idx)
    loss = (1.0 + _BETA) * dsum / jnp.float32(latent.size)
    return (x_q.reshape(x.shape), loss, idx.reshape(x.shape[:-1]))

# --- scband reference (transcript-rebuilt; emitter-appended) ---
"""Pipeline reference for scband-vector-quantizer-13262859010396 (READ-ONLY COPY).

The authoritative reference and input builder live on the scoring server;
editing this copy changes nothing except your own understanding.
"""

import jax, jax.numpy as jnp
import numpy as np

N_E = 8192
E_DIM = 32
BETA = 0.25


def setup_inputs(seed: int = 0) -> dict:
    key = jax.random.key(seed)
    k1, k2 = jax.random.split(key)
    x = jax.random.normal(k1, (16, 1024, E_DIM), dtype=jnp.float32)
    embedding_weight = jax.random.uniform(
        k2, (N_E, E_DIM), dtype=jnp.float32, minval=-1.0 / N_E, maxval=1.0 / N_E
    )
    return {"x": x, "embedding_weight": embedding_weight}


def reference(x, embedding_weight):
    # sk_epsilon = 0.0 -> argmin nearest-neighbor path (no Sinkhorn)
    latent = x.reshape(-1, E_DIM)
    d = (
        jnp.sum(latent ** 2, axis=1, keepdims=True)
        + jnp.sum(embedding_weight ** 2, axis=1, keepdims=True).T
        - 2.0 * jnp.matmul(latent, embedding_weight.T)
    )
    indices = jnp.argmin(d, axis=-1)
    x_q = jnp.take(embedding_weight, indices, axis=0).reshape(x.shape)
    commitment_loss = jnp.mean((jax.lax.stop_gradient(x_q) - x) ** 2)
    codebook_loss = jnp.mean((x_q - jax.lax.stop_gradient(x)) ** 2)
    loss = codebook_loss + BETA * commitment_loss
    x_q_st = x + jax.lax.stop_gradient(x_q - x)  # straight-through estimator
    indices = indices.reshape(x.shape[:-1])
    return (x_q_st, loss, indices)

if __name__ == "__main__":
    import jax
    _d = setup_inputs()
    print(jax.jit(kernel)(*tuple(_d.values())))

</pallas_src>

<mosaic_0001>
#map = affine_map<(d0, d1) -> (0, 0)>
#map1 = affine_map<(d0, d1) -> (0, 0, 0)>
module attributes {stable_mosaic.version = 14 : i64} {
  func.func @k(%arg0: i32, %arg1: i32, %arg2: memref<8192x128xf32, #tpu.memory_space<hbm>>, %arg3: memref<32x4x128xi32, #tpu.memory_space<hbm>>, %arg4: memref<16384x128xf32, #tpu.memory_space<hbm>>, %arg5: memref<4x128xi32, #tpu.memory_space<vmem>>, %arg6: memref<512x128xf32, #tpu.memory_space<vmem>>, %arg7: memref<!tpu.dma_semaphore, #tpu.memory_space<semaphore_mem>>) attributes {dimension_semantics = [#tpu.dimension_semantics<core_parallel>, #tpu.dimension_semantics<subcore_parallel>], iteration_bounds = array<i64: 2, 16>, scalar_prefetch = 0 : i64, scratch_operands = 3 : i64, tpu.core_type = #tpu.core_type<sc_vector_subcore>, window_params = [{transform_indices = #map}, {transform_indices = #map1}, {transform_indices = #map}]} {
    %mul3A = arith.constant 2 : i32
    %mul3A_0 = arith.muli %arg1, %mul3A : i32
    %add3A = arith.addi %mul3A_0, %arg0 : i32
    %mul3A_1 = arith.constant 512 : i32
    %mul3A_2 = arith.muli %add3A, %mul3A_1 : i32
    "tpu.region"() ({
      %run_scoped3A = tpu.sem_alloc : memref<!tpu.dma_semaphore, #tpu.memory_space<semaphore_mem>>
      %dma_start3A_81 = arith.constant 0 : i32
      %dma_start3A_82 = arith.constant 0 : i32
      %dma_start3A_83 = tpu.memref_slice %arg3[%add3A, %dma_start3A_81, %dma_start3A_82] : memref<32x4x128xi32, #tpu.memory_space<hbm>> -> memref<1x4x128xi32, #tpu.memory_space<hbm>>
      %dma_start3A_84 = tpu.memref_squeeze %dma_start3A_83 : memref<1x4x128xi32, #tpu.memory_space<hbm>> -> memref<4x128xi32, #tpu.memory_space<hbm>>
      %dma_start3A_85 = arith.constant 0 : i32
      %dma_start3A_86 = arith.constant 0 : i32
      %dma_start3A_87 = tpu.memref_slice %arg3[%add3A, %dma_start3A_85, %dma_start3A_86] : memref<32x4x128xi32, #tpu.memory_space<hbm>> -> memref<1x4x128xi32, #tpu.memory_space<hbm>>
      %dma_start3A_88 = tpu.memref_squeeze %dma_start3A_87 : memref<1x4x128xi32, #tpu.memory_space<hbm>> -> memref<4x128xi32, #tpu.memory_space<hbm>>
      tpu.enqueue_dma source(%dma_start3A_88 : memref<4x128xi32, #tpu.memory_space<hbm>>) target(%arg5 : memref<4x128xi32, #tpu.memory_space<vmem>>) target_semaphore(%run_scoped3A : memref<!tpu.dma_semaphore, #tpu.memory_space<semaphore_mem>>)
      %dma_wait3A_89 = arith.constant 0 : i32
      %dma_wait3A_90 = arith.constant 0 : i32
      %dma_wait3A_91 = tpu.memref_slice %arg3[%add3A, %dma_wait3A_89, %dma_wait3A_90] : memref<32x4x128xi32, #tpu.memory_space<hbm>> -> memref<1x4x128xi32, #tpu.memory_space<hbm>>
      %dma_wait3A_92 = tpu.memref_squeeze %dma_wait3A_91 : memref<1x4x128xi32, #tpu.memory_space<hbm>> -> memref<4x128xi32, #tpu.memory_space<hbm>>
      %dma_wait3A_93 = arith.constant 0 : i32
      %dma_wait3A_94 = arith.constant 0 : i32
      %dma_wait3A_95 = tpu.memref_slice %arg3[%add3A, %dma_wait3A_93, %dma_wait3A_94] : memref<32x4x128xi32, #tpu.memory_space<hbm>> -> memref<1x4x128xi32, #tpu.memory_space<hbm>>
      %dma_wait3A_96 = tpu.memref_squeeze %dma_wait3A_95 : memref<1x4x128xi32, #tpu.memory_space<hbm>> -> memref<4x128xi32, #tpu.memory_space<hbm>>
      tpu.wait_dma2 semaphore(%run_scoped3A : memref<!tpu.dma_semaphore, #tpu.memory_space<semaphore_mem>>) src(%dma_wait3A_96 : memref<4x128xi32, #tpu.memory_space<hbm>>) dst(%arg5 : memref<4x128xi32, #tpu.memory_space<vmem>>)
      tpu.yield
    }) : () -> ()
    %dma_start3A = arith.constant 0 : i32
    %dma_start3A_3 = arith.constant 0 : i32
    %dma_start3A_4 = arith.constant 0 : i32
    %dma_start3A_5 = tpu.memref_slice %arg6[%dma_start3A_3, %dma_start3A_4] : memref<512x128xf32, #tpu.memory_space<vmem>> -> memref<128x128xf32, #tpu.memory_space<vmem>>
    %dma_start3A_6 = arith.constant 0 : i32
    %dma_start3A_7 = tpu.memref_slice %arg5[%dma_start3A, %dma_start3A_6] : memref<4x128xi32, #tpu.memory_space<vmem>> -> memref<1x128xi32, #tpu.memory_space<vmem>>
    %dma_start3A_8 = tpu.memref_squeeze %dma_start3A_7 : memref<1x128xi32, #tpu.memory_space<vmem>> -> memref<128xi32, #tpu.memory_space<vmem>>
    %dma_start3A_9 = arith.constant 0 : i32
    %dma_start3A_10 = arith.constant 0 : i32
    %dma_start3A_11 = tpu.memref_slice %arg2[%dma_start3A_9, %dma_start3A_10] : memref<8192x128xf32, #tpu.memory_space<hbm>> -> memref<8192x128xf32, #tpu.memory_space<hbm>>
    tpu.enqueue_indirect_dma source(%dma_start3A_11 : memref<8192x128xf32, #tpu.memory_space<hbm>>) target(%dma_start3A_5 : memref<128x128xf32, #tpu.memory_space<vmem>>) offsets(%dma_start3A_8 : memref<128xi32, #tpu.memory_space<vmem>>) semaphore(%arg7 : memref<!tpu.dma_semaphore, #tpu.memory_space<semaphore_mem>>)
    %dma_start3A_12 = arith.constant 1 : i32
    %dma_start3A_13 = arith.constant 128 : i32
    %dma_start3A_14 = arith.constant 0 : i32
    %dma_start3A_15 = tpu.memref_slice %arg6[%dma_start3A_13, %dma_start3A_14] : memref<512x128xf32, #tpu.memory_space<vmem>> -> memref<128x128xf32, #tpu.memory_space<vmem>>
    %dma_start3A_16 = arith.constant 0 : i32
    %dma_start3A_17 = tpu.memref_slice %arg5[%dma_start3A_12, %dma_start3A_16] : memref<4x128xi32, #tpu.memory_space<vmem>> -> memref<1x128xi32, #tpu.memory_space<vmem>>
    %dma_start3A_18 = tpu.memref_squeeze %dma_start3A_17 : memref<1x128xi32, #tpu.memory_space<vmem>> -> memref<128xi32, #tpu.memory_space<vmem>>
    %dma_start3A_19 = arith.constant 0 : i32
    %dma_start3A_20 = arith.constant 0 : i32
    %dma_start3A_21 = tpu.memref_slice %arg2[%dma_start3A_19, %dma_start3A_20] : memref<8192x128xf32, #tpu.memory_space<hbm>> -> memref<8192x128xf32, #tpu.memory_space<hbm>>
    tpu.enqueue_indirect_dma source(%dma_start3A_21 : memref<8192x128xf32, #tpu.memory_space<hbm>>) target(%dma_start3A_15 : memref<128x128xf32, #tpu.memory_space<vmem>>) offsets(%dma_start3A_18 : memref<128xi32, #tpu.memory_space<vmem>>) semaphore(%arg7 : memref<!tpu.dma_semaphore, #tpu.memory_space<semaphore_mem>>)
    %dma_start3A_22 = arith.constant 2 : i32
    %dma_start3A_23 = arith.constant 256 : i32
    %dma_start3A_24 = arith.constant 0 : i32
    %dma_start3A_25 = tpu.memref_slice %arg6[%dma_start3A_23, %dma_start3A_24] : memref<512x128xf32, #tpu.memory_space<vmem>> -> memref<128x128xf32, #tpu.memory_space<vmem>>
    %dma_start3A_26 = arith.constant 0 : i32
    %dma_start3A_27 = tpu.memref_slice %arg5[%dma_start3A_22, %dma_start3A_26] : memref<4x128xi32, #tpu.memory_space<vmem>> -> memref<1x128xi32, #tpu.memory_space<vmem>>
    %dma_start3A_28 = tpu.memref_squeeze %dma_start3A_27 : memref<1x128xi32, #tpu.memory_space<vmem>> -> memref<128xi32, #tpu.memory_space<vmem>>
    %dma_start3A_29 = arith.constant 0 : i32
    %dma_start3A_30 = arith.constant 0 : i32
    %dma_start3A_31 = tpu.memref_slice %arg2[%dma_start3A_29, %dma_start3A_30] : memref<8192x128xf32, #tpu.memory_space<hbm>> -> memref<8192x128xf32, #tpu.memory_space<hbm>>
    tpu.enqueue_indirect_dma source(%dma_start3A_31 : memref<8192x128xf32, #tpu.memory_space<hbm>>) target(%dma_start3A_25 : memref<128x128xf32, #tpu.memory_space<vmem>>) offsets(%dma_start3A_28 : memref<128xi32, #tpu.memory_space<vmem>>) semaphore(%arg7 : memref<!tpu.dma_semaphore, #tpu.memory_space<semaphore_mem>>)
    %dma_start3A_32 = arith.constant 3 : i32
    %dma_start3A_33 = arith.constant 384 : i32
    %dma_start3A_34 = arith.constant 0 : i32
    %dma_start3A_35 = tpu.memref_slice %arg6[%dma_start3A_33, %dma_start3A_34] : memref<512x128xf32, #tpu.memory_space<vmem>> -> memref<128x128xf32, #tpu.memory_space<vmem>>
    %dma_start3A_36 = arith.constant 0 : i32
    %dma_start3A_37 = tpu.memref_slice %arg5[%dma_start3A_32, %dma_start3A_36] : memref<4x128xi32, #tpu.memory_space<vmem>> -> memref<1x128xi32, #tpu.memory_space<vmem>>
    %dma_start3A_38 = tpu.memref_squeeze %dma_start3A_37 : memref<1x128xi32, #tpu.memory_space<vmem>> -> memref<128xi32, #tpu.memory_space<vmem>>
    %dma_start3A_39 = arith.constant 0 : i32
    %dma_start3A_40 = arith.constant 0 : i32
    %dma_start3A_41 = tpu.memref_slice %arg2[%dma_start3A_39, %dma_start3A_40] : memref<8192x128xf32, #tpu.memory_space<hbm>> -> memref<8192x128xf32, #tpu.memory_space<hbm>>
    tpu.enqueue_indirect_dma source(%dma_start3A_41 : memref<8192x128xf32, #tpu.memory_space<hbm>>) target(%dma_start3A_35 : memref<128x128xf32, #tpu.memory_space<vmem>>) offsets(%dma_start3A_38 : memref<128xi32, #tpu.memory_space<vmem>>) semaphore(%arg7 : memref<!tpu.dma_semaphore, #tpu.memory_space<semaphore_mem>>)
    %dma_wait3A = arith.constant 0 : i32
    %dma_wait3A_42 = arith.constant 0 : i32
    %dma_wait3A_43 = arith.constant 0 : i32
    %dma_wait3A_44 = tpu.memref_slice %arg6[%dma_wait3A_42, %dma_wait3A_43] : memref<512x128xf32, #tpu.memory_space<vmem>> -> memref<128x128xf32, #tpu.memory_space<vmem>>
    %dma_wait3A_45 = arith.constant 0 : i32
    %dma_wait3A_46 = tpu.memref_slice %arg5[%dma_wait3A, %dma_wait3A_45] : memref<4x128xi32, #tpu.memory_space<vmem>> -> memref<1x128xi32, #tpu.memory_space<vmem>>
    %dma_wait3A_47 = tpu.memref_squeeze %dma_wait3A_46 : memref<1x128xi32, #tpu.memory_space<vmem>> -> memref<128xi32, #tpu.memory_space<vmem>>
    %dma_wait3A_48 = arith.constant 0 : i32
    %dma_wait3A_49 = arith.constant 0 : i32
    %dma_wait3A_50 = tpu.memref_slice %arg2[%dma_wait3A_48, %dma_wait3A_49] : memref<8192x128xf32, #tpu.memory_space<hbm>> -> memref<8192x128xf32, #tpu.memory_space<hbm>>
    tpu.wait_indirect_dma semaphore(%arg7 : memref<!tpu.dma_semaphore, #tpu.memory_space<semaphore_mem>>) src(%dma_wait3A_50 : memref<8192x128xf32, #tpu.memory_space<hbm>>) dst(%dma_wait3A_44 : memref<128x128xf32, #tpu.memory_space<vmem>>)
    %dma_wait3A_51 = arith.constant 1 : i32
    %dma_wait3A_52 = arith.constant 128 : i32
    %dma_wait3A_53 = arith.constant 0 : i32
    %dma_wait3A_54 = tpu.memref_slice %arg6[%dma_wait3A_52, %dma_wait3A_53] : memref<512x128xf32, #tpu.memory_space<vmem>> -> memref<128x128xf32, #tpu.memory_space<vmem>>
    %dma_wait3A_55 = arith.constant 0 : i32
    %dma_wait3A_56 = tpu.memref_slice %arg5[%dma_wait3A_51, %dma_wait3A_55] : memref<4x128xi32, #tpu.memory_space<vmem>> -> memref<1x128xi32, #tpu.memory_space<vmem>>
    %dma_wait3A_57 = tpu.memref_squeeze %dma_wait3A_56 : memref<1x128xi32, #tpu.memory_space<vmem>> -> memref<128xi32, #tpu.memory_space<vmem>>
    %dma_wait3A_58 = arith.constant 0 : i32
    %dma_wait3A_59 = arith.constant 0 : i32
    %dma_wait3A_60 = tpu.memref_slice %arg2[%dma_wait3A_58, %dma_wait3A_59] : memref<8192x128xf32, #tpu.memory_space<hbm>> -> memref<8192x128xf32, #tpu.memory_space<hbm>>
    tpu.wait_indirect_dma semaphore(%arg7 : memref<!tpu.dma_semaphore, #tpu.memory_space<semaphore_mem>>) src(%dma_wait3A_60 : memref<8192x128xf32, #tpu.memory_space<hbm>>) dst(%dma_wait3A_54 : memref<128x128xf32, #tpu.memory_space<vmem>>)
    %dma_wait3A_61 = arith.constant 2 : i32
    %dma_wait3A_62 = arith.constant 256 : i32
    %dma_wait3A_63 = arith.constant 0 : i32
    %dma_wait3A_64 = tpu.memref_slice %arg6[%dma_wait3A_62, %dma_wait3A_63] : memref<512x128xf32, #tpu.memory_space<vmem>> -> memref<128x128xf32, #tpu.memory_space<vmem>>
    %dma_wait3A_65 = arith.constant 0 : i32
    %dma_wait3A_66 = tpu.memref_slice %arg5[%dma_wait3A_61, %dma_wait3A_65] : memref<4x128xi32, #tpu.memory_space<vmem>> -> memref<1x128xi32, #tpu.memory_space<vmem>>
    %dma_wait3A_67 = tpu.memref_squeeze %dma_wait3A_66 : memref<1x128xi32, #tpu.memory_space<vmem>> -> memref<128xi32, #tpu.memory_space<vmem>>
    %dma_wait3A_68 = arith.constant 0 : i32
    %dma_wait3A_69 = arith.constant 0 : i32
    %dma_wait3A_70 = tpu.memref_slice %arg2[%dma_wait3A_68, %dma_wait3A_69] : memref<8192x128xf32, #tpu.memory_space<hbm>> -> memref<8192x128xf32, #tpu.memory_space<hbm>>
    tpu.wait_indirect_dma semaphore(%arg7 : memref<!tpu.dma_semaphore, #tpu.memory_space<semaphore_mem>>) src(%dma_wait3A_70 : memref<8192x128xf32, #tpu.memory_space<hbm>>) dst(%dma_wait3A_64 : memref<128x128xf32, #tpu.memory_space<vmem>>)
    %dma_wait3A_71 = arith.constant 3 : i32
    %dma_wait3A_72 = arith.constant 384 : i32
    %dma_wait3A_73 = arith.constant 0 : i32
    %dma_wait3A_74 = tpu.memref_slice %arg6[%dma_wait3A_72, %dma_wait3A_73] : memref<512x128xf32, #tpu.memory_space<vmem>> -> memref<128x128xf32, #tpu.memory_space<vmem>>
    %dma_wait3A_75 = arith.constant 0 : i32
    %dma_wait3A_76 = tpu.memref_slice %arg5[%dma_wait3A_71, %dma_wait3A_75] : memref<4x128xi32, #tpu.memory_space<vmem>> -> memref<1x128xi32, #tpu.memory_space<vmem>>
    %dma_wait3A_77 = tpu.memref_squeeze %dma_wait3A_76 : memref<1x128xi32, #tpu.memory_space<vmem>> -> memref<128xi32, #tpu.memory_space<vmem>>
    %dma_wait3A_78 = arith.constant 0 : i32
    %dma_wait3A_79 = arith.constant 0 : i32
    %dma_wait3A_80 = tpu.memref_slice %arg2[%dma_wait3A_78, %dma_wait3A_79] : memref<8192x128xf32, #tpu.memory_space<hbm>> -> memref<8192x128xf32, #tpu.memory_space<hbm>>
    tpu.wait_indirect_dma semaphore(%arg7 : memref<!tpu.dma_semaphore, #tpu.memory_space<semaphore_mem>>) src(%dma_wait3A_80 : memref<8192x128xf32, #tpu.memory_space<hbm>>) dst(%dma_wait3A_74 : memref<128x128xf32, #tpu.memory_space<vmem>>)
    "tpu.region"() ({
      %run_scoped3A = tpu.sem_alloc : memref<!tpu.dma_semaphore, #tpu.memory_space<semaphore_mem>>
      %dma_start3A_81 = arith.constant 0 : i32
      %dma_start3A_82 = tpu.memref_slice %arg4[%mul3A_2, %dma_start3A_81] : memref<16384x128xf32, #tpu.memory_space<hbm>> -> memref<512x128xf32, #tpu.memory_space<hbm>>
      %dma_start3A_83 = arith.constant 0 : i32
      %dma_start3A_84 = tpu.memref_slice %arg4[%mul3A_2, %dma_start3A_83] : memref<16384x128xf32, #tpu.memory_space<hbm>> -> memref<512x128xf32, #tpu.memory_space<hbm>>
      tpu.enqueue_dma source(%arg6 : memref<512x128xf32, #tpu.memory_space<vmem>>) target(%dma_start3A_84 : memref<512x128xf32, #tpu.memory_space<hbm>>) target_semaphore(%run_scoped3A : memref<!tpu.dma_semaphore, #tpu.memory_space<semaphore_mem>>)
      %dma_wait3A_85 = arith.constant 0 : i32
      %dma_wait3A_86 = tpu.memref_slice %arg4[%mul3A_2, %dma_wait3A_85] : memref<16384x128xf32, #tpu.memory_space<hbm>> -> memref<512x128xf32, #tpu.memory_space<hbm>>
      %dma_wait3A_87 = arith.constant 0 : i32
      %dma_wait3A_88 = tpu.memref_slice %arg4[%mul3A_2, %dma_wait3A_87] : memref<16384x128xf32, #tpu.memory_space<hbm>> -> memref<512x128xf32, #tpu.memory_space<hbm>>
      tpu.wait_dma2 semaphore(%run_scoped3A : memref<!tpu.dma_semaphore, #tpu.memory_space<semaphore_mem>>) src(%arg6 : memref<512x128xf32, #tpu.memory_space<vmem>>) dst(%dma_wait3A_88 : memref<512x128xf32, #tpu.memory_space<hbm>>)
      tpu.yield
    }) : () -> ()
    return
  }
}

module attributes {stable_mosaic.version = 14 : i64} {
  func.func @_argmin_body(%arg0: i32, %arg1: memref<2048x32xf32, #tpu.memory_space<vmem>>, %arg2: memref<2048x1xf32, #tpu.memory_space<vmem>>, %arg3: memref<8192x32xf32, #tpu.memory_space<vmem>>, %arg4: memref<1x8192xf32, #tpu.memory_space<vmem>>, %arg5: memref<2048x1xi32, #tpu.memory_space<vmem>>, %arg6: memref<1x1xf32, #tpu.memory_space<vmem>>) attributes {dimension_semantics = [#tpu.dimension_semantics<arbitrary>], iteration_bounds = array<i64: 8>, scalar_prefetch = 0 : i64, scratch_operands = 0 : i64, tpu.core_type = #tpu.core_type<tc>, window_params = [{transform_indices = @transform_0, window_bounds = array<i64: 2048, 32>}, {transform_indices = @transform_1, window_bounds = array<i64: 2048, 1>}, {pipeline_mode = #tpu.pipeline_mode<synchronous>, transform_indices = @transform_2, window_bounds = array<i64: 8192, 32>}, {pipeline_mode = #tpu.pipeline_mode<synchronous>, transform_indices = @transform_3, window_bounds = array<i64: 1, 8192>}, {transform_indices = @transform_4, window_bounds = array<i64: 2048, 1>}, {pipeline_mode = #tpu.pipeline_mode<synchronous>, transform_indices = @transform_5, window_bounds = array<i64: 1, 1>}]} {
    %get3A = arith.constant 0 : index
    %get3A_0 = arith.constant 0 : index
    %get3A_1 = vector.load %arg1[%get3A, %get3A_0] : memref<2048x32xf32, #tpu.memory_space<vmem>>, vector<2048x32xf32>
    %convert_element_type3A = arith.truncf %get3A_1 : vector<2048x32xf32> to vector<2048x32xbf16>
    %get3A_2 = arith.constant 0 : index
    %get3A_3 = arith.constant 0 : index
    %get3A_4 = vector.load %arg2[%get3A_2, %get3A_3] : memref<2048x1xf32, #tpu.memory_space<vmem>>, vector<2048x1xf32>
    %get3A_5 = arith.constant 0 : index
    %get3A_6 = arith.constant 0 : index
    %get3A_7 = vector.load %arg3[%get3A_5, %get3A_6] : memref<8192x32xf32, #tpu.memory_space<vmem>>, vector<1024x32xf32>
    %convert_element_type3A_8 = arith.truncf %get3A_7 : vector<1024x32xf32> to vector<1024x32xbf16>
    %get3A_9 = arith.constant 0 : index
    %get3A_10 = arith.constant 0 : index
    %get3A_11 = vector.load %arg4[%get3A_9, %get3A_10] : memref<1x8192xf32, #tpu.memory_space<vmem>>, vector<1x1024xf32>
    %dot_general3A = arith.constant dense<0.000000e+00> : vector<2048x1024xf32>
    %dot_general3A_12 = tpu.matmul %convert_element_type3A, %convert_element_type3A_8, %dot_general3A {dimension_numbers = #tpu.dot_dimension_numbers<[1], [1], [0], [0], [0, 0, 1, 0], [], []>, transpose_lhs_hint = false} : vector<2048x32xbf16>, vector<1024x32xbf16>, vector<2048x1024xf32> -> vector<2048x1024xf32>
    %add3A = vector.broadcast %get3A_4 : vector<2048x1xf32> to vector<2048x1024xf32>
    %add3A_13 = vector.broadcast %get3A_11 : vector<1x1024xf32> to vector<2048x1024xf32>
    %add3A_14 = arith.addf %add3A, %add3A_13 : vector<2048x1024xf32>
    %add3A_15 = arith.addf %add3A_14, %dot_general3A_12 : vector<2048x1024xf32>
    %reduce_min3A = arith.constant dense<0x7F800000> : vector<2048xf32>
    %reduce_min3A_16 = vector.multi_reduction <minimumf>, %add3A_15, %reduce_min3A [1] : vector<2048x1024xf32> to vector<2048xf32>
    %broadcast_in_dim3A = vector.shape_cast %reduce_min3A_16 : vector<2048xf32> to vector<2048x1xf32>
    %iota3A = tpu.iota {dimensions = array<i32: 1>} : vector<2048x1024xi32>
    %eq3A = vector.broadcast %broadcast_in_dim3A : vector<2048x1xf32> to vector<2048x1024xf32>
    %eq3A_17 = arith.cmpf oeq, %add3A_15, %eq3A : vector<2048x1024xf32>
    %jit3A = arith.constant 2147483647 : i32
    %broadcast_in_dim3A_18 = vector.broadcast %jit3A : i32 to vector<2048x1024xi32>
    %select_n3A = arith.select %eq3A_17, %iota3A, %broadcast_in_dim3A_18 : vector<2048x1024xi1>, vector<2048x1024xi32>
    %reduce_min3A_19 = arith.constant dense<2147483647> : vector<2048xi32>
    %reduce_min3A_20 = vector.multi_reduction <minsi>, %select_n3A, %reduce_min3A_19 [1] : vector<2048x1024xi32> to vector<2048xi32>
    %broadcast_in_dim3A_21 = vector.shape_cast %reduce_min3A_20 : vector<2048xi32> to vector<2048x1xi32>
    %add3A_22 = arith.constant 0 : i32
    %add3A_23 = vector.broadcast %add3A_22 : i32 to vector<2048x1xi32>
    %add3A_24 = arith.addi %broadcast_in_dim3A_21, %add3A_23 : vector<2048x1xi32>
    %get3A_25 = arith.constant 1024 : index
    %get3A_26 = arith.constant 0 : index
    %get3A_27 = vector.load %arg3[%get3A_25, %get3A_26] : memref<8192x32xf32, #tpu.memory_space<vmem>>, vector<1024x32xf32>
    %convert_element_type3A_28 = arith.truncf %get3A_27 : vector<1024x32xf32> to vector<1024x32xbf16>
    %get3A_29 = arith.constant 0 : index
    %get3A_30 = arith.constant 1024 : index
    %get3A_31 = vector.load %arg4[%get3A_29, %get3A_30] : memref<1x8192xf32, #tpu.memory_space<vmem>>, vector<1x1024xf32>
    %dot_general3A_32 = arith.constant dense<0.000000e+00> : vector<2048x1024xf32>
    %dot_general3A_33 = tpu.matmul %convert_element_type3A, %convert_element_type3A_28, %dot_general3A_32 {dimension_numbers = #tpu.dot_dimension_numbers<[1], [1], [0], [0], [0, 0, 1, 0], [], []>, transpose_lhs_hint = false} : vector<2048x32xbf16>, vector<1024x32xbf16>, vector<2048x1024xf32> -> vector<2048x1024xf32>
    %add3A_34 = vector.broadcast %get3A_4 : vector<2048x1xf32> to vector<2048x1024xf32>
    %add3A_35 = vector.broadcast %get3A_31 : vector<1x1024xf32> to vector<2048x1024xf32>
    %add3A_36 = arith.addf %add3A_34, %add3A_35 : vector<2048x1024xf32>
    %add3A_37 = arith.addf %add3A_36, %dot_general3A_33 : vector<2048x1024xf32>
    %reduce_min3A_38 = arith.constant dense<0x7F800000> : vector<2048xf32>
    %reduce_min3A_39 = vector.multi_reduction <minimumf>, %add3A_37, %reduce_min3A_38 [1] : vector<2048x1024xf32> to vector<2048xf32>
    %broadcast_in_dim3A_40 = vector.shape_cast %reduce_min3A_39 : vector<2048xf32> to vector<2048x1xf32>
    %iota3A_41 = tpu.iota {dimensions = array<i32: 1>} : vector<2048x1024xi32>
    %eq3A_42 = vector.broadcast %broadcast_in_dim3A_40 : vector<2048x1xf32> to vector<2048x1024xf32>
    %eq3A_43 = arith.cmpf oeq, %add3A_37, %eq3A_42 : vector<2048x1024xf32>
    %jit3A_44 = arith.constant 2147483647 : i32
    %broadcast_in_dim3A_45 = vector.broadcast %jit3A_44 : i32 to vector<2048x1024xi32>
    %select_n3A_46 = arith.select %eq3A_43, %iota3A_41, %broadcast_in_dim3A_45 : vector<2048x1024xi1>, vector<2048x1024xi32>
    %reduce_min3A_47 = arith.constant dense<2147483647> : vector<2048xi32>
    %reduce_min3A_48 = vector.multi_reduction <minsi>, %select_n3A_46, %reduce_min3A_47 [1] : vector<2048x1024xi32> to vector<2048xi32>
    %broadcast_in_dim3A_49 = vector.shape_cast %reduce_min3A_48 : vector<2048xi32> to vector<2048x1xi32>
    %add3A_50 = arith.constant 1024 : i32
    %add3A_51 = vector.broadcast %add3A_50 : i32 to vector<2048x1xi32>
    %add3A_52 = arith.addi %broadcast_in_dim3A_49, %add3A_51 : vector<2048x1xi32>
    %get3A_53 = arith.constant 2048 : index
    %get3A_54 = arith.constant 0 : index
    %get3A_55 = vector.load %arg3[%get3A_53, %get3A_54] : memref<8192x32xf32, #tpu.memory_space<vmem>>, vector<1024x32xf32>
    %convert_element_type3A_56 = arith.truncf %get3A_55 : vector<1024x32xf32> to vector<1024x32xbf16>
    %get3A_57 = arith.constant 0 : index
    %get3A_58 = arith.constant 2048 : index
    %get3A_59 = vector.load %arg4[%get3A_57, %get3A_58] : memref<1x8192xf32, #tpu.memory_space<vmem>>, vector<1x1024xf32>
    %dot_general3A_60 = arith.constant dense<0.000000e+00> : vector<2048x1024xf32>
    %dot_general3A_61 = tpu.matmul %convert_element_type3A, %convert_element_type3A_56, %dot_general3A_60 {dimension_numbers = #tpu.dot_dimension_numbers<[1], [1], [0], [0], [0, 0, 1, 0], [], []>, transpose_lhs_hint = false} : vector<2048x32xbf16>, vector<1024x32xbf16>, vector<2048x1024xf32> -> vector<2048x1024xf32>
    %add3A_62 = vector.broadcast %get3A_4 : vector<2048x1xf32> to vector<2048x1024xf32>
    %add3A_63 = vector.broadcast %get3A_59 : vector<1x1024xf32> to vector<2048x1024xf32>
    %add3A_64 = arith.addf %add3A_62, %add3A_63 : vector<2048x1024xf32>
    %add3A_65 = arith.addf %add3A_64, %dot_general3A_61 : vector<2048x1024xf32>
    %reduce_min3A_66 = arith.constant dense<0x7F800000> : vector<2048xf32>
    %reduce_min3A_67 = vector.multi_reduction <minimumf>, %add3A_65, %reduce_min3A_66 [1] : vector<2048x1024xf32> to vector<2048xf32>
    %broadcast_in_dim3A_68 = vector.shape_cast %reduce_min3A_67 : vector<2048xf32> to vector<2048x1xf32>
    %iota3A_69 = tpu.iota {dimensions = array<i32: 1>} : vector<2048x1024xi32>
    %eq3A_70 = vector.broadcast %broadcast_in_dim3A_68 : vector<2048x1xf32> to vector<2048x1024xf32>
    %eq3A_71 = arith.cmpf oeq, %add3A_65, %eq3A_70 : vector<2048x1024xf32>
    %jit3A_72 = arith.constant 2147483647 : i32
    %broadcast_in_dim3A_73 = vector.broadcast %jit3A_72 : i32 to vector<2048x1024xi32>
    %select_n3A_74 = arith.select %eq3A_71, %iota3A_69, %broadcast_in_dim3A_73 : vector<2048x1024xi1>, vector<2048x1024xi32>
    %reduce_min3A_75 = arith.constant dense<2147483647> : vector<2048xi32>
    %reduce_min3A_76 = vector.multi_reduction <minsi>, %select_n3A_74, %reduce_min3A_75 [1] : vector<2048x1024xi32> to vector<2048xi32>
    %broadcast_in_dim3A_77 = vector.shape_cast %reduce_min3A_76 : vector<2048xi32> to vector<2048x1xi32>
    %add3A_78 = arith.constant 2048 : i32
    %add3A_79 = vector.broadcast %add3A_78 : i32 to vector<2048x1xi32>
    %add3A_80 = arith.addi %broadcast_in_dim3A_77, %add3A_79 : vector<2048x1xi32>
    %get3A_81 = arith.constant 3072 : index
    %get3A_82 = arith.constant 0 : index
    %get3A_83 = vector.load %arg3[%get3A_81, %get3A_82] : memref<8192x32xf32, #tpu.memory_space<vmem>>, vector<1024x32xf32>
    %convert_element_type3A_84 = arith.truncf %get3A_83 : vector<1024x32xf32> to vector<1024x32xbf16>
    %get3A_85 = arith.constant 0 : index
    %get3A_86 = arith.constant 3072 : index
    %get3A_87 = vector.load %arg4[%get3A_85, %get3A_86] : memref<1x8192xf32, #tpu.memory_space<vmem>>, vector<1x1024xf32>
    %dot_general3A_88 = arith.constant dense<0.000000e+00> : vector<2048x1024xf32>
    %dot_general3A_89 = tpu.matmul %convert_element_type3A, %convert_element_type3A_84, %dot_general3A_88 {dimension_numbers = #tpu.dot_dimension_numbers<[1], [1], [0], [0], [0, 0, 1, 0], [], []>, transpose_lhs_hint = false} : vector<2048x32xbf16>, vector<1024x32xbf16>, vector<2048x1024xf32> -> vector<2048x1024xf32>
    %add3A_90 = vector.broadcast %get3A_4 : vector<2048x1xf32> to vector<2048x1024xf32>
    %add3A_91 = vector.broadcast %get3A_87 : vector<1x1024xf32> to vector<2048x1024xf32>
    %add3A_92 = arith.addf %add3A_90, %add3A_91 : vector<2048x1024xf32>
    %add3A_93 = arith.addf %add3A_92, %dot_general3A_89 : vector<2048x1024xf32>
    %reduce_min3A_94 = arith.constant dense<0x7F800000> : vector<2048xf32>
    %reduce_min3A_95 = vector.multi_reduction <minimumf>, %add3A_93, %reduce_min3A_94 [1] : vector<2048x1024xf32> to vector<2048xf32>
    %broadcast_in_dim3A_96 = vector.shape_cast %reduce_min3A_95 : vector<2048xf32> to vector<2048x1xf32>
    %iota3A_97 = tpu.iota {dimensions = array<i32: 1>} : vector<2048x1024xi32>
    %eq3A_98 = vector.broadcast %broadcast_in_dim3A_96 : vector<2048x1xf32> to vector<2048x1024xf32>
    %eq3A_99 = arith.cmpf oeq, %add3A_93, %eq3A_98 : vector<2048x1024xf32>
    %jit3A_100 = arith.constant 2147483647 : i32
    %broadcast_in_dim3A_101 = vector.broadcast %jit3A_100 : i32 to vector<2048x1024xi32>
    %select_n3A_102 = arith.select %eq3A_99, %iota3A_97, %broadcast_in_dim3A_101 : vector<2048x1024xi1>, vector<2048x1024xi32>
    %reduce_min3A_103 = arith.constant dense<2147483647> : vector<2048xi32>
    %reduce_min3A_104 = vector.multi_reduction <minsi>, %select_n3A_102, %reduce_min3A_103 [1] : vector<2048x1024xi32> to vector<2048xi32>
    %broadcast_in_dim3A_105 = vector.shape_cast %reduce_min3A_104 : vector<2048xi32> to vector<2048x1xi32>
    %add3A_106 = arith.constant 3072 : i32
    %add3A_107 = vector.broadcast %add3A_106 : i32 to vector<2048x1xi32>
    %add3A_108 = arith.addi %broadcast_in_dim3A_105, %add3A_107 : vector<2048x1xi32>
    %get3A_109 = arith.constant 4096 : index
    %get3A_110 = arith.constant 0 : index
    %get3A_111 = vector.load %arg3[%get3A_109, %get3A_110] : memref<8192x32xf32, #tpu.memory_space<vmem>>, vector<1024x32xf32>
    %convert_element_type3A_112 = arith.truncf %get3A_111 : vector<1024x32xf32> to vector<1024x32xbf16>
    %get3A_113 = arith.constant 0 : index
    %get3A_114 = arith.constant 4096 : index
    %get3A_115 = vector.load %arg4[%get3A_113, %get3A_114] : memref<1x8192xf32, #tpu.memory_space<vmem>>, vector<1x1024xf32>
    %dot_general3A_116 = arith.constant dense<0.000000e+00> : vector<2048x1024xf32>
    %dot_general3A_117 = tpu.matmul %convert_element_type3A, %convert_element_type3A_112, %dot_general3A_116 {dimension_numbers = #tpu.dot_dimension_numbers<[1], [1], [0], [0], [0, 0, 1, 0], [], []>, transpose_lhs_hint = false} : vector<2048x32xbf16>, vector<1024x32xbf16>, vector<2048x1024xf32> -> vector<2048x1024xf32>
    %add3A_118 = vector.broadcast %get3A_4 : vector<2048x1xf32> to vector<2048x1024xf32>
    %add3A_119 = vector.broadcast %get3A_115 : vector<1x1024xf32> to vector<2048x1024xf32>
    %add3A_120 = arith.addf %add3A_118, %add3A_119 : vector<2048x1024xf32>
    %add3A_121 = arith.addf %add3A_120, %dot_general3A_117 : vector<2048x1024xf32>
    %reduce_min3A_122 = arith.constant dense<0x7F800000> : vector<2048xf32>
    %reduce_min3A_123 = vector.multi_reduction <minimumf>, %add3A_121, %reduce_min3A_122 [1] : vector<2048x1024xf32> to vector<2048xf32>
    %broadcast_in_dim3A_124 = vector.shape_cast %reduce_min3A_123 : vector<2048xf32> to vector<2048x1xf32>
    %iota3A_125 = tpu.iota {dimensions = array<i32: 1>} : vector<2048x1024xi32>
    %eq3A_126 = vector.broadcast %broadcast_in_dim3A_124 : vector<2048x1xf32> to vector<2048x1024xf32>
    %eq3A_127 = arith.cmpf oeq, %add3A_121, %eq3A_126 : vector<2048x1024xf32>
    %jit3A_128 = arith.constant 2147483647 : i32
    %broadcast_in_dim3A_129 = vector.broadcast %jit3A_128 : i32 to vector<2048x1024xi32>
    %select_n3A_130 = arith.select %eq3A_127, %iota3A_125, %broadcast_in_dim3A_129 : vector<2048x1024xi1>, vector<2048x1024xi32>
    %reduce_min3A_131 = arith.constant dense<2147483647> : vector<2048xi32>
    %reduce_min3A_132 = vector.multi_reduction <minsi>, %select_n3A_130, %reduce_min3A_131 [1] : vector<2048x1024xi32> to vector<2048xi32>
    %broadcast_in_dim3A_133 = vector.shape_cast %reduce_min3A_132 : vector<2048xi32> to vector<2048x1xi32>
    %add3A_134 = arith.constant 4096 : i32
    %add3A_135 = vector.broadcast %add3A_134 : i32 to vector<2048x1xi32>
    %add3A_136 = arith.addi %broadcast_in_dim3A_133, %add3A_135 : vector<2048x1xi32>
    %get3A_137 = arith.constant 5120 : index
    %get3A_138 = arith.constant 0 : index
    %get3A_139 = vector.load %arg3[%get3A_137, %get3A_138] : memref<8192x32xf32, #tpu.memory_space<vmem>>, vector<1024x32xf32>
    %convert_element_type3A_140 = arith.truncf %get3A_139 : vector<1024x32xf32> to vector<1024x32xbf16>
    %get3A_141 = arith.constant 0 : index
    %get3A_142 = arith.constant 5120 : index
    %get3A_143 = vector.load %arg4[%get3A_141, %get3A_142] : memref<1x8192xf32, #tpu.memory_space<vmem>>, vector<1x1024xf32>
    %dot_general3A_144 = arith.constant dense<0.000000e+00> : vector<2048x1024xf32>
    %dot_general3A_145 = tpu.matmul %convert_element_type3A, %convert_element_type3A_140, %dot_general3A_144 {dimension_numbers = #tpu.dot_dimension_numbers<[1], [1], [0], [0], [0, 0, 1, 0], [], []>, transpose_lhs_hint = false} : vector<2048x32xbf16>, vector<1024x32xbf16>, vector<2048x1024xf32> -> vector<2048x1024xf32>
    %add3A_146 = vector.broadcast %get3A_4 : vector<2048x1xf32> to vector<2048x1024xf32>
    %add3A_147 = vector.broadcast %get3A_143 : vector<1x1024xf32> to vector<2048x1024xf32>
    %add3A_148 = arith.addf %add3A_146, %add3A_147 : vector<2048x1024xf32>
    %add3A_149 = arith.addf %add3A_148, %dot_general3A_145 : vector<2048x1024xf32>
    %reduce_min3A_150 = arith.constant dense<0x7F800000> : vector<2048xf32>
    %reduce_min3A_151 = vector.multi_reduction <minimumf>, %add3A_149, %reduce_min3A_150 [1] : vector<2048x1024xf32> to vector<2048xf32>
    %broadcast_in_dim3A_152 = vector.shape_cast %reduce_min3A_151 : vector<2048xf32> to vector<2048x1xf32>
    %iota3A_153 = tpu.iota {dimensions = array<i32: 1>} : vector<2048x1024xi32>
    %eq3A_154 = vector.broadcast %broadcast_in_dim3A_152 : vector<2048x1xf32> to vector<2048x1024xf32>
    %eq3A_155 = arith.cmpf oeq, %add3A_149, %eq3A_154 : vector<2048x1024xf32>
    %jit3A_156 = arith.constant 2147483647 : i32
    %broadcast_in_dim3A_157 = vector.broadcast %jit3A_156 : i32 to vector<2048x1024xi32>
    %select_n3A_158 = arith.select %eq3A_155, %iota3A_153, %broadcast_in_dim3A_157 : vector<2048x1024xi1>, vector<2048x1024xi32>
    %reduce_min3A_159 = arith.constant dense<2147483647> : vector<2048xi32>
    %reduce_min3A_160 = vector.multi_reduction <minsi>, %select_n3A_158, %reduce_min3A_159 [1] : vector<2048x1024xi32> to vector<2048xi32>
    %broadcast_in_dim3A_161 = vector.shape_cast %reduce_min3A_160 : vector<2048xi32> to vector<2048x1xi32>
    %add3A_162 = arith.constant 5120 : i32
    %add3A_163 = vector.broadcast %add3A_162 : i32 to vector<2048x1xi32>
    %add3A_164 = arith.addi %broadcast_in_dim3A_161, %add3A_163 : vector<2048x1xi32>
    %get3A_165 = arith.constant 6144 : index
    %get3A_166 = arith.constant 0 : index
    %get3A_167 = vector.load %arg3[%get3A_165, %get3A_166] : memref<8192x32xf32, #tpu.memory_space<vmem>>, vector<1024x32xf32>
    %convert_element_type3A_168 = arith.truncf %get3A_167 : vector<1024x32xf32> to vector<1024x32xbf16>
    %get3A_169 = arith.constant 0 : index
    %get3A_170 = arith.constant 6144 : index
    %get3A_171 = vector.load %arg4[%get3A_169, %get3A_170] : memref<1x8192xf32, #tpu.memory_space<vmem>>, vector<1x1024xf32>
    %dot_general3A_172 = arith.constant dense<0.000000e+00> : vector<2048x1024xf32>
    %dot_general3A_173 = tpu.matmul %convert_element_type3A, %convert_element_type3A_168, %dot_general3A_172 {dimension_numbers = #tpu.dot_dimension_numbers<[1], [1], [0], [0], [0, 0, 1, 0], [], []>, transpose_lhs_hint = false} : vector<2048x32xbf16>, vector<1024x32xbf16>, vector<2048x1024xf32> -> vector<2048x1024xf32>
    %add3A_174 = vector.broadcast %get3A_4 : vector<2048x1xf32> to vector<2048x1024xf32>
    %add3A_175 = vector.broadcast %get3A_171 : vector<1x1024xf32> to vector<2048x1024xf32>
    %add3A_176 = arith.addf %add3A_174, %add3A_175 : vector<2048x1024xf32>
    %add3A_177 = arith.addf %add3A_176, %dot_general3A_173 : vector<2048x1024xf32>
    %reduce_min3A_178 = arith.constant dense<0x7F800000> : vector<2048xf32>
    %reduce_min3A_179 = vector.multi_reduction <minimumf>, %add3A_177, %reduce_min3A_178 [1] : vector<2048x1024xf32> to vector<2048xf32>
    %broadcast_in_dim3A_180 = vector.shape_cast %reduce_min3A_179 : vector<2048xf32> to vector<2048x1xf32>
    %iota3A_181 = tpu.iota {dimensions = array<i32: 1>} : vector<2048x1024xi32>
    %eq3A_182 = vector.broadcast %broadcast_in_dim3A_180 : vector<2048x1xf32> to vector<2048x1024xf32>
    %eq3A_183 = arith.cmpf oeq, %add3A_177, %eq3A_182 : vector<2048x1024xf32>
    %jit3A_184 = arith.constant 2147483647 : i32
    %broadcast_in_dim3A_185 = vector.broadcast %jit3A_184 : i32 to vector<2048x1024xi32>
    %select_n3A_186 = arith.select %eq3A_183, %iota3A_181, %broadcast_in_dim3A_185 : vector<2048x1024xi1>, vector<2048x1024xi32>
    %reduce_min3A_187 = arith.constant dense<2147483647> : vector<2048xi32>
    %reduce_min3A_188 = vector.multi_reduction <minsi>, %select_n3A_186, %reduce_min3A_187 [1] : vector<2048x1024xi32> to vector<2048xi32>
    %broadcast_in_dim3A_189 = vector.shape_cast %reduce_min3A_188 : vector<2048xi32> to vector<2048x1xi32>
    %add3A_190 = arith.constant 6144 : i32
    %add3A_191 = vector.broadcast %add3A_190 : i32 to vector<2048x1xi32>
    %add3A_192 = arith.addi %broadcast_in_dim3A_189, %add3A_191 : vector<2048x1xi32>
    %get3A_193 = arith.constant 7168 : index
    %get3A_194 = arith.constant 0 : index
    %get3A_195 = vector.load %arg3[%get3A_193, %get3A_194] : memref<8192x32xf32, #tpu.memory_space<vmem>>, vector<1024x32xf32>
    %convert_element_type3A_196 = arith.truncf %get3A_195 : vector<1024x32xf32> to vector<1024x32xbf16>
    %get3A_197 = arith.constant 0 : index
    %get3A_198 = arith.constant 7168 : index
    %get3A_199 = vector.load %arg4[%get3A_197, %get3A_198] : memref<1x8192xf32, #tpu.memory_space<vmem>>, vector<1x1024xf32>
    %dot_general3A_200 = arith.constant dense<0.000000e+00> : vector<2048x1024xf32>
    %dot_general3A_201 = tpu.matmul %convert_element_type3A, %convert_element_type3A_196, %dot_general3A_200 {dimension_numbers = #tpu.dot_dimension_numbers<[1], [1], [0], [0], [0, 0, 1, 0], [], []>, transpose_lhs_hint = false} : vector<2048x32xbf16>, vector<1024x32xbf16>, vector<2048x1024xf32> -> vector<2048x1024xf32>
    %add3A_202 = vector.broadcast %get3A_4 : vector<2048x1xf32> to vector<2048x1024xf32>
    %add3A_203 = vector.broadcast %get3A_199 : vector<1x1024xf32> to vector<2048x1024xf32>
    %add3A_204 = arith.addf %add3A_202, %add3A_203 : vector<2048x1024xf32>
    %add3A_205 = arith.addf %add3A_204, %dot_general3A_201 : vector<2048x1024xf32>
    %reduce_min3A_206 = arith.constant dense<0x7F800000> : vector<2048xf32>
    %reduce_min3A_207 = vector.multi_reduction <minimumf>, %add3A_205, %reduce_min3A_206 [1] : vector<2048x1024xf32> to vector<2048xf32>
    %broadcast_in_dim3A_208 = vector.shape_cast %reduce_min3A_207 : vector<2048xf32> to vector<2048x1xf32>
    %iota3A_209 = tpu.iota {dimensions = array<i32: 1>} : vector<2048x1024xi32>
    %eq3A_210 = vector.broadcast %broadcast_in_dim3A_208 : vector<2048x1xf32> to vector<2048x1024xf32>
    %eq3A_211 = arith.cmpf oeq, %add3A_205, %eq3A_210 : vector<2048x1024xf32>
    %jit3A_212 = arith.constant 2147483647 : i32
    %broadcast_in_dim3A_213 = vector.broadcast %jit3A_212 : i32 to vector<2048x1024xi32>
    %select_n3A_214 = arith.select %eq3A_211, %iota3A_209, %broadcast_in_dim3A_213 : vector<2048x1024xi1>, vector<2048x1024xi32>
    %reduce_min3A_215 = arith.constant dense<2147483647> : vector<2048xi32>
    %reduce_min3A_216 = vector.multi_reduction <minsi>, %select_n3A_214, %reduce_min3A_215 [1] : vector<2048x1024xi32> to vector<2048xi32>
    %broadcast_in_dim3A_217 = vector.shape_cast %reduce_min3A_216 : vector<2048xi32> to vector<2048x1xi32>
    %add3A_218 = arith.constant 7168 : i32
    %add3A_219 = vector.broadcast %add3A_218 : i32 to vector<2048x1xi32>
    %add3A_220 = arith.addi %broadcast_in_dim3A_217, %add3A_219 : vector<2048x1xi32>
    %le3A = arith.cmpf ole, %broadcast_in_dim3A, %broadcast_in_dim3A_40 : vector<2048x1xf32>
    %select_n3A_221 = arith.select %le3A, %broadcast_in_dim3A, %broadcast_in_dim3A_40 : vector<2048x1xi1>, vector<2048x1xf32>
    %select_n3A_222 = arith.select %le3A, %add3A_24, %add3A_52 : vector<2048x1xi1>, vector<2048x1xi32>
    %le3A_223 = arith.cmpf ole, %broadcast_in_dim3A_68, %broadcast_in_dim3A_96 : vector<2048x1xf32>
    %select_n3A_224 = arith.select %le3A_223, %broadcast_in_dim3A_68, %broadcast_in_dim3A_96 : vector<2048x1xi1>, vector<2048x1xf32>
    %select_n3A_225 = arith.select %le3A_223, %add3A_80, %add3A_108 : vector<2048x1xi1>, vector<2048x1xi32>
    %le3A_226 = arith.cmpf ole, %broadcast_in_dim3A_124, %broadcast_in_dim3A_152 : vector<2048x1xf32>
    %select_n3A_227 = arith.select %le3A_226, %broadcast_in_dim3A_124, %broadcast_in_dim3A_152 : vector<2048x1xi1>, vector<2048x1xf32>
    %select_n3A_228 = arith.select %le3A_226, %add3A_136, %add3A_164 : vector<2048x1xi1>, vector<2048x1xi32>
    %le3A_229 = arith.cmpf ole, %broadcast_in_dim3A_180, %broadcast_in_dim3A_208 : vector<2048x1xf32>
    %select_n3A_230 = arith.select %le3A_229, %broadcast_in_dim3A_180, %broadcast_in_dim3A_208 : vector<2048x1xi1>, vector<2048x1xf32>
    %select_n3A_231 = arith.select %le3A_229, %add3A_192, %add3A_220 : vector<2048x1xi1>, vector<2048x1xi32>
    %le3A_232 = arith.cmpf ole, %select_n3A_221, %select_n3A_224 : vector<2048x1xf32>
    %select_n3A_233 = arith.select %le3A_232, %select_n3A_221, %select_n3A_224 : vector<2048x1xi1>, vector<2048x1xf32>
    %select_n3A_234 = arith.select %le3A_232, %select_n3A_222, %select_n3A_225 : vector<2048x1xi1>, vector<2048x1xi32>
    %le3A_235 = arith.cmpf ole, %select_n3A_227, %select_n3A_230 : vector<2048x1xf32>
    %select_n3A_236 = arith.select %le3A_235, %select_n3A_227, %select_n3A_230 : vector<2048x1xi1>, vector<2048x1xf32>
    %select_n3A_237 = arith.select %le3A_235, %select_n3A_228, %select_n3A_231 : vector<2048x1xi1>, vector<2048x1xi32>
    %bitcast_convert_type3A = tpu.bitcast %select_n3A_233 : vector<2048x1xf32> -> vector<2048x1xi32>
    %add3A_238 = arith.constant 32767 : i32
    %add3A_239 = vector.broadcast %add3A_238 : i32 to vector<2048x1xi32>
    %add3A_240 = arith.addi %bitcast_convert_type3A, %add3A_239 : vector<2048x1xi32>
    %shift_right_logical3A = arith.constant 16 : i32
    %shift_right_logical3A_241 = vector.broadcast %shift_right_logical3A : i32 to vector<2048x1xi32>
    %shift_right_logical3A_242 = arith.shrui %bitcast_convert_type3A, %shift_right_logical3A_241 : vector<2048x1xi32>
    %and3A = arith.constant 1 : i32
    %and3A_243 = vector.broadcast %and3A : i32 to vector<2048x1xi32>
    %and3A_244 = arith.andi %shift_right_logical3A_242, %and3A_243 : vector<2048x1xi32>
    %add3A_245 = arith.addi %add3A_240, %and3A_244 : vector<2048x1xi32>
    %and3A_246 = arith.constant -65536 : i32
    %and3A_247 = vector.broadcast %and3A_246 : i32 to vector<2048x1xi32>
    %and3A_248 = arith.andi %add3A_245, %and3A_247 : vector<2048x1xi32>
    %bitcast_convert_type3A_249 = tpu.bitcast %and3A_248 : vector<2048x1xi32> -> vector<2048x1xf32>
    %le3A_250 = arith.cmpf ole, %bitcast_convert_type3A_249, %select_n3A_236 : vector<2048x1xf32>
    %select_n3A_251 = arith.select %le3A_250, %select_n3A_233, %select_n3A_236 : vector<2048x1xi1>, vector<2048x1xf32>
    %select_n3A_252 = arith.select %le3A_250, %select_n3A_234, %select_n3A_237 : vector<2048x1xi1>, vector<2048x1xi32>
    %swap3A = arith.constant 0 : index
    %swap3A_253 = arith.constant 0 : index
    %swap3A_254 = vector.load %arg5[%swap3A, %swap3A_253] : memref<2048x1xi32, #tpu.memory_space<vmem>>, vector<2048x1xi32>
    tpu.vector_store %arg5[%swap3A, %swap3A_253], %select_n3A_252 {strides = array<i32>} : memref<2048x1xi32, #tpu.memory_space<vmem>>, vector<2048x1xi32>,
    %eq3A_255 = arith.constant 0 : i32
    %eq3A_256 = arith.cmpi eq, %arg0, %eq3A_255 : i32
    %convert_element_type3A_257 = arith.extui %eq3A_256 : i1 to i32
    %cond3A = arith.constant 0 : i32
    %cond3A_258 = arith.cmpi ne, %convert_element_type3A_257, %cond3A : i32
    scf.if %cond3A_258 {
      %broadcast_in_dim3A_268 = arith.constant 0.000000e+00 : f32
      %broadcast_in_dim3A_269 = vector.broadcast %broadcast_in_dim3A_268 : f32 to vector<1x1xf32>
      %swap3A_270 = arith.constant 0 : index
      %swap3A_271 = arith.constant 0 : index
      %swap3A_272 = vector.load %arg6[%swap3A_270, %swap3A_271] : memref<1x1xf32, #tpu.memory_space<vmem>>, vector<1x1xf32>
      tpu.vector_store %arg6[%swap3A_270, %swap3A_271], %broadcast_in_dim3A_269 {strides = array<i32>} : memref<1x1xf32, #tpu.memory_space<vmem>>, vector<1x1xf32>,
    } else {
    }
    %get3A_259 = arith.constant 0 : index
    %get3A_260 = arith.constant 0 : index
    %get3A_261 = vector.load %arg6[%get3A_259, %get3A_260] : memref<1x1xf32, #tpu.memory_space<vmem>>, vector<1x1xf32>
    %reduce_sum3A = arith.constant dense<0.000000e+00> : vector<1xf32>
    %reduce_sum3A_262 = vector.multi_reduction <add>, %select_n3A_251, %reduce_sum3A [0] : vector<2048x1xf32> to vector<1xf32>
    %broadcast_in_dim3A_263 = vector.shape_cast %reduce_sum3A_262 : vector<1xf32> to vector<1x1xf32>
    %add3A_264 = arith.addf %get3A_261, %broadcast_in_dim3A_263 : vector<1x1xf32>
    %swap3A_265 = arith.constant 0 : index
    %swap3A_266 = arith.constant 0 : index
    %swap3A_267 = vector.load %arg6[%swap3A_265, %swap3A_266] : memref<1x1xf32, #tpu.memory_space<vmem>>, vector<1x1xf32>
    tpu.vector_store %arg6[%swap3A_265, %swap3A_266], %add3A_264 {strides = array<i32>} : memref<1x1xf32, #tpu.memory_space<vmem>>, vector<1x1xf32>,
    return
  }
  func.func @transform_0(%arg0: i32) -> (i32, i32) {
    %c0_i32 = arith.constant 0 : i32
    %c0_i32_0 = arith.constant 0 : i32
    return %arg0, %c0_i32 : i32, i32
  }
  func.func @transform_1(%arg0: i32) -> (i32, i32) {
    %c0_i32 = arith.constant 0 : i32
    %c0_i32_0 = arith.constant 0 : i32
    return %arg0, %c0_i32 : i32, i32
  }
  func.func @transform_2(%arg0: i32) -> (i32, i32) {
    %c0_i32 = arith.constant 0 : i32
    %c0_i32_0 = arith.constant 0 : i32
    %c0_i32_1 = arith.constant 0 : i32
    return %c0_i32, %c0_i32_0 : i32, i32
  }
  func.func @transform_3(%arg0: i32) -> (i32, i32) {
    %c0_i32 = arith.constant 0 : i32
    %c0_i32_0 = arith.constant 0 : i32
    %c0_i32_1 = arith.constant 0 : i32
    return %c0_i32, %c0_i32_0 : i32, i32
  }
  func.func @transform_4(%arg0: i32) -> (i32, i32) {
    %c0_i32 = arith.constant 0 : i32
    %c0_i32_0 = arith.constant 0 : i32
    return %arg0, %c0_i32 : i32, i32
  }
  func.func @transform_5(%arg0: i32) -> (i32, i32) {
    %c0_i32 = arith.constant 0 : i32
    %c0_i32_0 = arith.constant 0 : i32
    %c0_i32_1 = arith.constant 0 : i32
    return %c0_i32, %c0_i32_0 : i32, i32
  }
}

</mosaic_0001>

<sc_bundles>
// kernel: kernel.4.cloned.1.call-start
scs
__scs_entry_jumppad:
0x0: {  	(pc) =	sbr.rel $0x88, $3  }
0x1: {  	(tag) =	ssettag $0x0;
	lr =	simm.s32 $0x1  }
0x2: {  	[smem:$0x3F9F] =	sst lr;
	_ =	strace $0xD0000000  }
0x3: {  	_ = 	snop  }
0x4: {  	_ = 	snop  }
0x5: {  	_ = 	snop  }
0x6: {  	_ = 	snop  }
0x7: {  	_ = 	snop  }
__scs_overlays_trampoline_lowered:
0x8: {  	[smem:$0x3FAE] =	sst s0  }
0x9: {  	[smem:$0x3FAF] =	sst s1  }
0xa: {  	[smem:$0x3FB0] =	sst s2  }
0xb: {  	[smem:$0x3FB1] =	sst s3  }
0xc: {  	[smem:$0x3FB2] =	sst s4  }
0xd: {  	[smem:$0x3FB3] =	sst s5  }
0xe: {  	[smem:$0x3FB4] =	sst s6  }
0xf: {  	[smem:$0x3FB5] =	sst s7  }
0x10: {  	[smem:$0x3FB6] =	sst s8  }
0x11: {  	[smem:$0x3FB7] =	sst s9;
	s0 =	simm.s32 @!p0 $0x0  }
0x12: {  	s1 =	sld [smem:$0x3F9D];
	s0 =	simm.s32 @p0 $0x1  }
0x13: {  	[smem:$0x3FB8] =	sst s0;
	s0 =	simm.s32 @!p1 $0x0  }
0x14: {  	s2 =	sld [smem:$0x3F9C];
	s0 =	simm.s32 @p1 $0x1  }
0x15: {  	[smem:$0x3FB9] =	sst s0;
	s0 =	simm.s32 @!p2 $0x0  }
0x16: {  	s3 =	sld [smem:$0x3FDB];
	s0 =	simm.s32 @p2 $0x1  }
0x17: {  	s4 =	simm.s32 $0x1BF5;
	[smem:$0x3FBB] =	sst s0  }
0x18: {  	s0 =	sld [smem:$0x3F9E];
	_ =	swait.ge [sflag:s4], $0x0  }
0x19: {  	s7 =	sld [smem:$0x3F9F]  }
0x1a: {  	s8 =	sadd.s32 $0xFFFFE003, lr  }
0x1b: {  	s9 =	sadd.s32 $0xFFFFFEF7, lr;
	s5 =	simm.s32 $0xFFFFFFFF;
	p2 =	slt.u32 s8, $0xFFFFF086  }
0x1c: {  	p1 =	slt.u32 s9, $0xF7A;
	s5 =	simm.s32 @!p2 $0x0  }
0x1d: {  	s5 =	simm.s32 @p1 $0x1;
	p0 =	seq.s32 s7, s2  }
0x1e: {  	s7 =	smul.u32 @!p0 $0xF7A, s2;
	p2 =	seq.s32 @!p0 s5, $0x0  }
0x1f: {  	s9 =	smul.u32 $0xF7A, s1;
	s8 =	simm.s32 @!p0 $0x1BF5;
	p2 =	por !p2, p0  }
0x20: {  	[sflag:s8] =	ssyncset.s32 @!p0 $0xFFFFF086;
	s6 =	sadd.s32 @!p0 s3, s7;
	s7 =	simm.s32 @!p0 $0x108  }
0x21: {  	s3 =	sadd.s32 s3, s9;
	s6 =	sadd.s32 @!p0 $0x88, s6;
	s7 =	simm.s32 @p2 $0x1082  }
0x22: {  	[simem:s7], [sflag:s8] =	dma.local @!p0 [hbm:s6], $0xF7A  }
0x23: {  	s9 =	sor.u32 $0xD0000000, s2;
	s6 =	simm.s32 $0x108;
	_ =	swait.ge @!p0 [sflag:s8], $0x0  }
0x24: {  	s3 =	sadd.s32 $0x88, s3;
	s6 =	simm.s32 @!p1 $0x1082;
	[sflag:s4] =	ssyncset.s32 $0xFFFFF086  }
0x25: {  	[simem:s6], [sflag:s4] =	dma.local [hbm:s3], $0xF7A  }
0x26: {  	[smem:$0x3F9F] =	sst s1;
	(tag) =	ssettag s2;
	_ =	strace s9  }
0x27: {  	s1 =	sld [smem:$0x3FAF]  }
0x28: {  	s2 =	sld [smem:$0x3FB0]  }
0x29: {  	s4 =	sld [smem:$0x3FB2]  }
0x2a: {  	p0 =	seq.s32 s5, $0x0;
	s5 =	sld [smem:$0x3FB3]  }
0x2b: {  	s6 =	sld [smem:$0x3FB4]  }
0x2c: {  	s7 =	sld [smem:$0x3FB5]  }
0x2d: {  	s3 =	simm.s32 $0x108;
	s8 =	sld [smem:$0x3FB6]  }
0x2e: {  	s3 =	simm.s32 @!p0 $0x1082;
	s9 =	sld [smem:$0x3FB7]  }
0x2f: {  	lr =	sadd.s32 s0, s3;
	s0 =	sld [smem:$0x3FAE]  }
0x30: {  	s3 =	sld [smem:$0x3FB1]  }
0x31: {  	[smem:$0x3FBA] =	sst s10  }
0x32: {  	s10 =	sld [smem:$0x3FB8];
	_ =	sdelay $0x3  }
0x33: {  	p0 =	seq.s32 s10, $0x1;
	s10 =	sld [smem:$0x3FBA];
	_ =	sdelay $0x3  }
0x34: {  	[smem:$0x3FBA] =	sst s10  }
0x35: {  	s10 =	sld [smem:$0x3FB9];
	_ =	sdelay $0x3  }
0x36: {  	p1 =	seq.s32 s10, $0x1;
	s10 =	sld [smem:$0x3FBA];
	_ =	sdelay $0x3  }
0x37: {  	[smem:$0x3FBA] =	sst s10  }
0x38: {  	s10 =	sld [smem:$0x3FBB]  }
0x39: {  	_ = 	snop;
	(pc) =	sbr.ind lr, $3  }
0x3a: {  	_ = 	snop  }
0x3b: {  	_ = 	snop  }
0x3c: {  	p2 =	seq.s32 s10, $0x1;
	s10 =	sld [smem:$0x3FBA]  }
0x3d: {  	_ =	shalt  }
0x3e: {  	_ =	shalt  }
0x3f: {  	_ =	shalt  }
0x40: {  	_ =	shalt  }
0x41: {  	_ =	shalt  }
0x42: {  	_ =	shalt  }
0x43: {  	_ =	shalt  }
0x44: {  	_ =	shalt  }
0x45: {  	_ =	shalt  }
0x46: {  	_ =	shalt  }
0x47: {  	_ =	shalt  }
0x48: {  	_ =	shalt  }
0x49: {  	_ =	shalt  }
0x4a: {  	_ =	shalt  }
0x4b: {  	_ =	shalt  }
0x4c: {  	_ =	shalt  }
0x4d: {  	_ =	shalt  }
0x4e: {  	_ =	shalt  }
0x4f: {  	_ =	shalt  }
0x50: {  	_ =	shalt  }
0x51: {  	_ =	shalt  }
0x52: {  	_ =	shalt  }
0x53: {  	_ =	shalt  }
0x54: {  	_ =	shalt  }
0x55: {  	_ =	shalt  }
0x56: {  	_ =	shalt  }
0x57: {  	_ =	shalt  }
0x58: {  	_ =	shalt  }
0x59: {  	_ =	shalt  }
0x5a: {  	_ =	shalt  }
0x5b: {  	_ =	shalt  }
0x5c: {  	_ =	shalt  }
0x5d: {  	_ =	shalt  }
0x5e: {  	_ =	shalt  }
0x5f: {  	_ =	shalt  }
0x60: {  	_ =	shalt  }
0x61: {  	_ =	shalt  }
0x62: {  	_ =	shalt  }
0x63: {  	_ =	shalt  }
0x64: {  	_ =	shalt  }
0x65: {  	_ =	shalt  }
0x66: {  	_ =	shalt  }
0x67: {  	_ =	shalt  }
0x68: {  	_ =	shalt  }
0x69: {  	_ =	shalt  }
0x6a: {  	_ =	shalt  }
0x6b: {  	_ =	shalt  }
0x6c: {  	_ =	shalt  }
0x6d: {  	_ =	shalt  }
0x6e: {  	_ =	shalt  }
0x6f: {  	_ =	shalt  }
0x70: {  	_ =	shalt  }
0x71: {  	_ =	shalt  }
0x72: {  	_ =	shalt  }
0x73: {  	_ =	shalt  }
0x74: {  	_ =	shalt  }
0x75: {  	_ =	shalt  }
0x76: {  	_ =	shalt  }
0x77: {  	_ =	shalt  }
0x78: {  	_ =	shalt  }
0x79: {  	_ =	shalt  }
0x7a: {  	_ =	shalt  }
0x7b: {  	_ =	shalt  }
0x7c: {  	_ =	shalt  }
0x7d: {  	_ =	shalt  }
0x7e: {  	_ =	shalt  }
0x7f: {  	_ =	shalt  }
0x80: {  	_ =	shalt  }
0x81: {  	_ =	shalt  }
0x82: {  	_ =	shalt  }
0x83: {  	_ =	shalt  }
0x84: {  	_ =	shalt  }
0x85: {  	_ =	shalt  }
0x86: {  	_ =	shalt  }
0x87: {  	_ =	shalt  }
.Lfunc_end0:
.L_simem_size_0:
called_computation_lowered:
.L_overlay_start_0:
0x88: {  	s2 =	sld [smem:$0x3FD9]  }
0x89: {  	s3 =	sld [smem:$0x3FFE];
	_ =	sdelay $0x1  }
0x8a: {  	s1 =	srdreg.scid  }
0x8b: {  	s0 =	sand.u32 $0x1, s1  }
0x8c: {  	s14 =	sshll.u32 s0, $0xA;
	s2 =	sadd.s32 s3, s2  }
0x8d: {  	s2 =	sadd.s32 s2, s14  }
0x8e: {  	[smem:$0x3FC6] =	sst s2  }
0x8f: {  	_ = 	snop  }
0x90: {  	s2 =	sld [smem:$0x3FD0];
	_ =	sdelay $0x2  }
0x91: {  	s15 =	simm.s32 $0xA;
	s4 =	simm.s32 $0x10  }
0x92: {  	[smem:s4], [sflag:s15] =	dma.local [hbm:s2], $0x1  }
0x93: {  	_ =	swait.eq [sflag:s15], $0x1  }
0x94: {  	[sflag:s15] =	ssyncset.done $0x0  }
0x95: {  	[sflag:s15] =	ssyncadd.s32 $0xFFFFFFFF  }
0x96: {  	s16 =	sld [smem:$0x10];
	(tm) =	ssettm $0x1  }
0x97: {  	s17 =	sld [smem:$0x3FFB];
	_ =	sdelay $0x3  }
0x98: {  	_ =	strace s17  }
0x99: {  	s3 =	sld [smem:$0x3FFC];
	_ =	sdelay $0x3  }
0x9a: {  	_ =	strace s3  }
0x9b: {  	s3 =	sld [smem:$0x3FFD];
	_ =	sdelay $0x3  }
0x9c: {  	_ =	strace s3  }
0x9d: {  	_ =	strace $0x8FFFFFFF  }
0x9e: {  	s18 =	sld [smem:$0x3FDB];
	_ =	sdelay $0x1  }
0x9f: {  	s19 =	simm.s32 $_scs_section_size  }
0xa0: {  	s5 =	simm.s32 $_size__tile_overlayer_lowered;
	s6 =	simm.s32 $_tile_overlayer_lowered  }
0xa1: {  	s22 =	simm.s32 $0x1BFF;
	s21 =	sshll.u32 s6, $0x1;
	s3 =	sadd.s32 s19, s18  }
0xa2: {  	s7 =	simm.s32 $0x0;
	s20 =	sshll.u32 s5, $0x1;
	s5 =	sadd.s32 s21, s3  }
0xa3: {  	[timem:s7], [sflag:s22] =	dma.local [hbm:s5], s20  }
0xa4: {  	_ =	swait.ge [sflag:s22], s20  }
0xa5: {  	s4 =	ssub.s32 $0x0, s20;
	[sflag:s22] =	ssyncset.done $0x0  }
0xa6: {  	[sflag:s22] =	ssyncadd.s32 s4;
	_ =	sdelay $0x1  }
0xa7: {  	s23 =	simm.s32 $0x1B8B  }
0xa8: {  	_ =	swait.ge [sflag:s23], $0x1  }
0xa9: {  	[sflag:s23] =	ssyncset.done $0x0  }
0xaa: {  	s25 =	simm.s32 $0x1B8E;
	s24 =	sld [smem:$0x3FFE];
	[sflag:s23] =	ssyncadd.s32 $0xFFFFFFFF  }
0xab: {  	s26 =	simm.s32 $execute0_lowered;
	[smem:$0x3FD2] =	sst s25  }
0xac: {  	s5 =	sshll.u32 s26, $0x1;
	_ =	strace $0x80000046;
	[dreg:$0x1] =	wrdreg $0xFFFFFFFF  }
0xad: {  	s28 =	simm.s32 $_size_execute0_lowered;
	s3 =	sadd.s32 s3, s5;
	[dreg:$0x0] =	wrdreg $0x0  }
0xae: {  	s5 =	sshll.u32 s28, $0x1;
	[dreg:$0x2] =	wrdreg s3  }
0xaf: {  	[dreg:$0x3] =	wrdreg s5  }
0xb0: {  	[dreg:$0x4] =	wrdreg $0xC0  }
0xb1: {  	_ =	task [dreg:s7], $0x5FFFF  }
0xb2: {  	[dreg:$0x1] =	wrdreg $0xFFFFFFFF  }
0xb3: {  	[dreg:$0x0] =	wrdreg $0x60  }
0xb4: {  	[dreg:$0x2] =	wrdreg s24  }
0xb5: {  	[dreg:$0x3] =	wrdreg s16  }
0xb6: {  	[dreg:$0x4] =	wrdreg $0x9  }
0xb7: {  	_ =	task.clear_ibuf [dreg:s7], $0x5FFFF;
	_ =	strace $0x90000046  }
0xb8: {  	s29 =	simm.s32 $0x9;
	_ =	strace $0x80000048  }
0xb9: {  	_ =	swait.ge [sflag:s29], $0x1  }
0xba: {  	[sflag:s29] =	ssyncadd.s32 $0xFFFFFFFF  }
0xbb: {  	_ =	strace $0x90000048  }
0xbc: {  	_ =	sfence  }
0xbd: {  	s30 =	sld [smem:$0x0];
	_ =	sdelay $0x2  }
0xbe: {  	s31 =	sshll.u32 s1, $0xD;
	s1 =	sshrl.u32 s1, $0x2  }
0xbf: {  	s3 =	sand.u32 $0x4000, s31;
	s1 =	sadd.s32 s1, s30  }
0xc0: {  	s0 =	sor.u32 s3, s0;
	s1 =	sshll.u32 s1, $0x11  }
0xc1: {  	s0 =	sor.u32 s1, s0  }
0xc2: {  	s0 =	sadd.s32 $0x8F2B, s0  }
0xc3: {  	[sflag:s0] =	ssyncadd.remote.s32 $0x1  }
0xc4: {  	_ =	sfence.sel $0xFFFF  }
0xc5: {  	[dreg:$0x0] =	wrdreg $0xFFFFFFFF;
	(pc) =	sbr.abs _section_cstart, $3  }
0xc6: {  	[dreg:$0x1] =	wrdreg $0xFFFFFFFF  }
0xc7: {  	_ =	task.clear_ibuf [dreg:s7], $0x2FFFF;
	_ =	strace $0x9FFFFFFF  }
0xc8: {  	(tm) =	ssettm $0x7FFFFFFF  }
0xc9: {  	_ =	shalt  }
tec
execute0_lowered:
.L_overlay_start_1:
0x0: {  	(tag) =	ssettag $0x1  }
0x1: {  	s1 =	srdreg.scid  }
0x2: {  	s2 =	rddreg [dreg:$0x0];
	s0 =	stileid.u32;
	s14 =	sand.u32 $0x1, s1  }
0x3: {  	s4 =	rddreg [dreg:$0x1];
	s5 =	sshll.u32 s0, $0xA;
	s6 =	sshll.u32 s14, $0x9  }
0x4: {  	s3 =	simm.s32 $0x0;
	s1 =	rddreg [dreg:$0x2];
	s15 =	sor.u32 s6, s5  }
0x5: {  	[smem:$0x7FF] =	sst s3;
	s5 =	sshrl.u32 s15, $0x3  }
0x6: {  	_ =	strace $0x80000047;
	s5 =	sadd.s32 s4, s5;
	s4 =	simm.s32 $0x2  }
0x7: {  	[tilespmem:s3], [sflag:$0x2] =	stream.linear.gather [hbm4b:s5+s3], $0x200, $0x38;
	[tilespmem:$0x10200] =	vst v63  }
0x8: {  	_ =	swait.ge [sflag:s4], $0x200  }
0x9: {  	[sflag:s4] =	ssyncset.done $0x0  }
0xa: {  	s7 =	simm.s32 $0x200;
	s6 =	simm.s32 $0x80;
	[sflag:s4] =	ssyncadd.s32 $0xFFFFFE00  }
0xb: {  	[tilespmem:s7], [sflag:$0x1] =	stream.indirect.gather [hbm4b:s2+s6], $0x80, s3, s6, $0xb8;
	[tilespmem:$0x10200] =	vst v63  }
0xc: {  	s8 =	simm.s32 $0x4200  }
0xd: {  	[tilespmem:s8], [sflag:$0x1] =	stream.indirect.gather [hbm4b:s2+s6], $0x80, s6, s6, $0xb8;
	[tilespmem:$0x10200] =	vst v63  }
0xe: {  	s9 =	simm.s32 $0x100;
	s10 =	simm.s32 $0x8200  }
0xf: {  	[tilespmem:s10], [sflag:$0x1] =	stream.indirect.gather [hbm4b:s2+s6], $0x80, s9, s6, $0xb8;
	[tilespmem:$0x10200] =	vst v63  }
0x10: {  	s11 =	simm.s32 $0x180;
	s12 =	simm.s32 $0xC200;
	s13 =	simm.s32 $0x1  }
0x11: {  	[tilespmem:s12], [sflag:$0x1] =	stream.indirect.gather [hbm4b:s2+s6], $0x80, s11, s6, $0xb8;
	[tilespmem:$0x10200] =	vst v63  }
0x12: {  	_ =	swait.ge [sflag:s13], $0x4000  }
0x13: {  	[sflag:s13] =	ssyncset.done $0x0  }
0x14: {  	[sflag:s13] =	ssyncadd.s32 $0xFFFFC000  }
0x15: {  	_ =	swait.ge [sflag:s13], $0x4000  }
0x16: {  	[sflag:s13] =	ssyncset.done $0x0  }
0x17: {  	s14 =	ssub.s32 $0x2, s14;
	[sflag:s13] =	ssyncadd.s32 $0xFFFFC000  }
0x18: {  	s16 =	sshrl.u32 s14, $0x1;
	_ =	swait.ge [sflag:s13], $0x4000  }
0x19: {  	s16 =	ssub.s32 s14, s16;
	[sflag:s13] =	ssyncset.done $0x0  }
0x1a: {  	s31 =	smax.u32 s16, $0x1;
	[sflag:s13] =	ssyncadd.s32 $0xFFFFC000  }
0x1b: {  	s15 =	sshll.u32 s15, $0x4;
	p0 =	sne.s32 s31, $0x1;
	_ =	swait.ge [sflag:s13], $0x4000  }
.Ltmp0:
0x1c: {  	s30 =	sadd.s32 s15, s2;
	[sflag:s13] =	ssyncset.done $0x0;
	(pc) =	sbr.rel @!p0 .LBB2_2-.Ltmp0, $4  }
0x1d: {  	s14 =	sadd.s32 $0x20000, s30;
	[sflag:s13] =	ssyncadd.s32 $0xFFFFC000  }
0x1e: {  	[hbm4b:s14+s3] =	stream.linear.scatter [tilespmem:s7], [sflag:$0x2], $0x10000, $0x38;
	[tilespmem:$0x10200] =	vst v63  }
0x1f: {  	_ =	swait.ge [sflag:s4], $0x10000  }
0x20: {  	s15 =	sadd.s32 $0xFFFFFFFF, s31;
	[sflag:s4] =	ssyncset.done $0x0  }
.LBB2_1:
0x21: {  	p0 =	sne.s32 s15, $0x1;
	s15 =	sadd.s32 $0xFFFFFFFF, s15;
	[sflag:s4] =	ssyncadd.s32 $0xFFFF0000  }
0x22: {  	[tilespmem:s3], [sflag:$0x2] =	stream.linear.gather [hbm4b:s5+s3], $0x200, $0x38;
	[tilespmem:$0x10200] =	vst v63  }
0x23: {  	_ =	swait.ge [sflag:s4], $0x200  }
0x24: {  	[sflag:s4] =	ssyncset.done $0x0  }
0x25: {  	[sflag:s4] =	ssyncadd.s32 $0xFFFFFE00  }
0x26: {  	[tilespmem:s7], [sflag:$0x1] =	stream.indirect.gather [hbm4b:s2+s6], $0x80, s3, s6, $0xb8;
	[tilespmem:$0x10200] =	vst v63  }
0x27: {  	_ = 	snop  }
0x28: {  	[tilespmem:s8], [sflag:$0x1] =	stream.indirect.gather [hbm4b:s2+s6], $0x80, s6, s6, $0xb8;
	[tilespmem:$0x10200] =	vst v63  }
0x29: {  	_ = 	snop  }
0x2a: {  	[tilespmem:s10], [sflag:$0x1] =	stream.indirect.gather [hbm4b:s2+s6], $0x80, s9, s6, $0xb8;
	[tilespmem:$0x10200] =	vst v63  }
0x2b: {  	_ = 	snop  }
0x2c: {  	[tilespmem:s12], [sflag:$0x1] =	stream.indirect.gather [hbm4b:s2+s6], $0x80, s11, s6, $0xb8;
	[tilespmem:$0x10200] =	vst v63  }
0x2d: {  	_ =	swait.ge [sflag:s13], $0x4000  }
0x2e: {  	[sflag:s13] =	ssyncset.done $0x0  }
0x2f: {  	[sflag:s13] =	ssyncadd.s32 $0xFFFFC000  }
0x30: {  	_ =	swait.ge [sflag:s13], $0x4000  }
0x31: {  	[sflag:s13] =	ssyncset.done $0x0  }
0x32: {  	[sflag:s13] =	ssyncadd.s32 $0xFFFFC000  }
0x33: {  	_ =	swait.ge [sflag:s13], $0x4000  }
0x34: {  	[sflag:s13] =	ssyncset.done $0x0  }
0x35: {  	[sflag:s13] =	ssyncadd.s32 $0xFFFFC000  }
0x36: {  	_ =	swait.ge [sflag:s13], $0x4000  }
.Ltmp1:
0x37: {  	[sflag:s13] =	ssyncset.done $0x0;
	(pc) =	sbr.rel @p0 .LBB2_1-.Ltmp1, $4  }
0x38: {  	[sflag:s13] =	ssyncadd.s32 $0xFFFFC000  }
0x39: {  	[hbm4b:s14+s3] =	stream.linear.scatter [tilespmem:s7], [sflag:$0x2], $0x10000, $0x38;
	[tilespmem:$0x10200] =	vst v63  }
0x3a: {  	_ =	swait.ge [sflag:s4], $0x10000  }
0x3b: {  	[sflag:s4] =	ssyncset.done $0x0  }
.LBB2_2:
0x3c: {  	[sflag:s4] =	ssyncadd.s32 $0xFFFF0000  }
0x3d: {  	_ =	sfence.sel $0x180000  }
0x3e: {  	[bflag:$0x0] =	sbarrier.arrive $0xFFFF  }
0x3f: {  	p0 =	sne.s32 s0, $0x0;
	_ =	strace $0x90000047  }
0x40: {  	s0 =	sadd.s32 @!p0 $0x100000, s1;
	[bflag:$0x2] =	sbarrier.arrive $0xFFFF  }
0x41: {  	[sflag:s0] =	ssyncadd.tile.s32 @!p0 $0x1;
	_ =	shalt  }
.Lfunc_end2:
_tile_overlayer_lowered:
.L_overlay_start_2:
0x42: {  	(tag) =	ssettag $0x2  }
0x43: {  	s0 =	rddreg [dreg:$0x0];
	s2 =	stileid.u32  }
0x44: {  	s1 =	rddreg [dreg:$0x1];
	p0 =	sne.s32 s2, $0x0  }
0x45: {  	s3 =	rddreg [dreg:$0x2];
	[bflag:$0x3] =	sbarrier.arrive $0xFFFF;
	s2 =	simm.s32 @!p0 $0x1C02  }
0x46: {  	[timem:s3], [sflag:s2] =	dma.local @!p0 [hbm:s0], s1  }
0x47: {  	s0 =	simm.s32 @!p0 $0x2  }
0x48: {  	_ =	swait.ge @!p0 [sflag:s0], s1  }
0x49: {  	s1 =	ssub.s32 @!p0 $0x0, s1;
	[sflag:s0] =	ssyncset.done @!p0 $0x0  }
0x4a: {  	[sflag:s0] =	ssyncadd.s32 @!p0 s1  }
0x4b: {  	[bflag:$0x3] =	sbarrier.arrive $0xFFFF  }
0x4c: {  	_ =	shalt  }

</sc_bundles>
